<compile_context>
chip_gen: v7x
topology: tpu7x:2x2x1
jax: 0.10.2.dev20260603
libtpu: 0.0.44.dev20260713+nightly
codegen_flags: <defaults>
</compile_context>

<pallas_src>
import functools

import jax
import jax.numpy as jnp
from jax import lax
from jax.experimental import pallas as pl
from jax.experimental.pallas import tpu as pltpu
from jax.experimental.pallas import tpu_sc as plsc

B, K, D = 16384, 1024, 256
BLK = 512
NSPLIT = 1


def _gcn_body(lm0, ap, ac, w1p, w1c, w2p, w2c, lm_out, lm2_out, lmn_out):
    x = lm0[...]
    h1 = jnp.maximum(
        jnp.dot(jnp.dot(ap[...], x, preferred_element_type=jnp.float32),
                w1p[...], preferred_element_type=jnp.float32)
        + jnp.dot(jnp.dot(ac[...], x, preferred_element_type=jnp.float32),
                  w1c[...], preferred_element_type=jnp.float32),
        0.0)
    h2 = jnp.maximum(
        jnp.dot(jnp.dot(ap[...], h1, preferred_element_type=jnp.float32),
                w2p[...], preferred_element_type=jnp.float32)
        + jnp.dot(jnp.dot(ac[...], h1, preferred_element_type=jnp.float32),
                  w2c[...], preferred_element_type=jnp.float32),
        0.0)
    lm_out[...] = h2
    lm2_out[...] = -2.0 * h2
    lmn_out[...] = jnp.sum(h2 * h2, axis=1, keepdims=True)


def _gcn(label_mat, adj_parent, adj_child, w1p, w1c, w2p, w2c):
    return pl.pallas_call(
        _gcn_body,
        out_shape=(
            jax.ShapeDtypeStruct((K, D), jnp.float32),
            jax.ShapeDtypeStruct((K, D), jnp.float32),
            jax.ShapeDtypeStruct((K, 1), jnp.float32),
        ),
    )(label_mat, adj_parent, adj_child, w1p, w1c, w2p, w2c)


def _ndis_argmax(xb, lm2_ref, lmn_ref):
    xn = jnp.sum(xb * xb, axis=1, keepdims=True)
    mm2 = lax.dot_general(xb, lm2_ref[...], (((1,), (1,)), ((), ())),
                          preferred_element_type=jnp.float32)
    c = (-xn) - lmn_ref[...].reshape(1, K)
    ndis = c - mm2
    maxv = jnp.max(ndis, axis=1, keepdims=True)
    kiota = lax.broadcasted_iota(jnp.int32, (BLK, K), 1)
    idx = jnp.min(jnp.where(ndis == maxv, kiota, K), axis=1)
    return ndis, idx, kiota


def _dist_body(*refs):
    x_ref, lm2_ref, lmn_ref = refs[0], refs[1], refs[2]
    ndis_ref, idx_ref = refs[-2], refs[-1]
    ndis, idx, _ = _ndis_argmax(x_ref[...], lm2_ref, lmn_ref)
    ndis_ref[...] = ndis
    idx_ref[0, 0, ...] = idx


def _dist_chunk(x, lm2, lmn, start_blk, nblk, ndis_prev):
    ins = [x, lm2, lmn]
    in_specs = [
        pl.BlockSpec((BLK, D), lambda i, s=start_blk: (i + s, 0)),
        pl.BlockSpec((K, D), lambda i: (0, 0)),
        pl.BlockSpec((K, 1), lambda i: (0, 0)),
    ]
    kwargs = {}
    if ndis_prev is not None:
        ins.append(ndis_prev)
        in_specs.append(pl.BlockSpec(memory_space=pl.ANY))
        kwargs["input_output_aliases"] = {3: 0}
    return pl.pallas_call(
        _dist_body,
        grid=(nblk,),
        in_specs=in_specs,
        out_specs=(
            pl.BlockSpec((BLK, K), lambda i, s=start_blk: (i + s, 0)),
            pl.BlockSpec((1, 1, BLK), lambda i: (i, 0, 0)),
        ),
        out_shape=(
            jax.ShapeDtypeStruct((B, K), jnp.float32),
            jax.ShapeDtypeStruct((nblk, 1, BLK), jnp.int32),
        ),
        **kwargs,
    )(*ins)


def _dist_quant_body(*refs):
    x_ref, lm2_ref, lmn_ref, lm_ref = refs[0], refs[1], refs[2], refs[3]
    ndis_ref, q_ref = refs[-2], refs[-1]
    ndis, idx, kiota = _ndis_argmax(x_ref[...], lm2_ref, lmn_ref)
    ndis_ref[...] = ndis
    onehot = (kiota == idx[:, None]).astype(jnp.float32)
    q_ref[...] = lax.dot_general(onehot, lm_ref[...], (((1,), (0,)), ((), ())),
                                 preferred_element_type=jnp.float32)


def _dist_quant_chunk(x, lm2, lmn, lm, start_blk, nblk, ndis_prev):
    ins = [x, lm2, lmn, lm, ndis_prev]
    in_specs = [
        pl.BlockSpec((BLK, D), lambda i, s=start_blk: (i + s, 0)),
        pl.BlockSpec((K, D), lambda i: (0, 0)),
        pl.BlockSpec((K, 1), lambda i: (0, 0)),
        pl.BlockSpec((K, D), lambda i: (0, 0)),
        pl.BlockSpec(memory_space=pl.ANY),
    ]
    return pl.pallas_call(
        _dist_quant_body,
        grid=(nblk,),
        in_specs=in_specs,
        out_specs=(
            pl.BlockSpec((BLK, K), lambda i, s=start_blk: (i + s, 0)),
            pl.BlockSpec((BLK, D), lambda i: (i, 0)),
        ),
        out_shape=(
            jax.ShapeDtypeStruct((B, K), jnp.float32),
            jax.ShapeDtypeStruct((nblk * BLK, D), jnp.float32),
        ),
        input_output_aliases={4: 0},
    )(*ins)


_NC, _NS = 2, 16
_NW = _NC * _NS
_CH = 128


def _gather_body(nrows, table_hbm, idx_hbm, out_hbm, idx_v, rows_v,
                 gsem0, gsem1, wsem0, wsem1):
    bpw = nrows // _NW
    ch = min(_CH, bpw)
    nchunk = bpw // ch
    wid = lax.axis_index("s") * _NC + lax.axis_index("c")
    base = wid * bpw
    gsems, wsems = (gsem0, gsem1), (wsem0, wsem1)
    pltpu.sync_copy(idx_hbm.at[pl.ds(base, bpw)], idx_v)
    g = [None, None]
    w = [None, None]
    g[0] = pltpu.async_copy(table_hbm.at[idx_v.at[pl.ds(0, ch)]],
                            rows_v.at[0], gsems[0])
    for c in range(1, nchunk):
        b, pb = c % 2, (c - 1) % 2
        if w[b] is not None:
            w[b].wait()
        g[b] = pltpu.async_copy(table_hbm.at[idx_v.at[pl.ds(c * ch, ch)]],
                                rows_v.at[b], gsems[b])
        g[pb].wait()
        w[pb] = pltpu.async_copy(rows_v.at[pb],
                                 out_hbm.at[pl.ds(base + (c - 1) * ch, ch)],
                                 wsems[pb])
    lb = (nchunk - 1) % 2
    g[lb].wait()
    w[lb] = pltpu.async_copy(rows_v.at[lb],
                             out_hbm.at[pl.ds(base + (nchunk - 1) * ch, ch)],
                             wsems[lb])
    for b in range(2):
        if w[b] is not None:
            w[b].wait()


@functools.cache
def _make_sc_gather(nrows):
    bpw = nrows // _NW
    ch = min(_CH, bpw)
    return pl.kernel(
        functools.partial(_gather_body, nrows),
        out_type=jax.ShapeDtypeStruct((nrows, D), jnp.float32),
        mesh=plsc.VectorSubcoreMesh(core_axis_name="c", subcore_axis_name="s"),
        scratch_types=[
            pltpu.VMEM((bpw,), jnp.int32),
            pltpu.VMEM((2, ch, D), jnp.float32),
            pltpu.SemaphoreType.DMA,
            pltpu.SemaphoreType.DMA,
            pltpu.SemaphoreType.DMA,
            pltpu.SemaphoreType.DMA,
        ],
    )


NA = 1


def kernel(x, var, label_mat, adj_parent, adj_child, W1p, W1c, W2p, W2c):
    del var
    lm, lm2, lmn = _gcn(label_mat, adj_parent, adj_child, W1p, W1c, W2p, W2c)
    nblk = B // BLK
    rows_a = NA * BLK
    ndis, idx_a = _dist_chunk(x, lm2, lmn, 0, NA, None)
    q_a = _make_sc_gather(rows_a)(lm, idx_a.reshape(rows_a))
    ndis, q_b = _dist_quant_chunk(x, lm2, lmn, lm, NA, nblk - NA, ndis)
    return jnp.concatenate([q_a, q_b], axis=0), ndis

# --- scband reference (transcript-rebuilt; emitter-appended) ---
"""Pipeline reference for scband-fixed-vector-quantizer-gcn-87041807220996 (READ-ONLY COPY).

The authoritative reference and input builder live on the scoring server;
editing this copy changes nothing except your own understanding.
"""

import jax, jax.numpy as jnp
import numpy as np

B, K, D = 16384, 1024, 256


def gcn_parent(x, adj_parent, adj_child, Wp, Wc):
    # Assumed GCNParent layer: parent + child message passing with ReLU.
    return jax.nn.relu(adj_parent @ x @ Wp + adj_child @ x @ Wc)


def setup_inputs(seed: int = 0) -> dict:
    key = jax.random.key(seed)
    ks = jax.random.split(key, 9)
    x = jax.random.normal(ks[0], (B, D), dtype=jnp.float32) * 0.1
    var = jax.random.uniform(ks[1], (B, K), dtype=jnp.float32)
    label_mat = jax.random.normal(ks[2], (K, D), dtype=jnp.float32) * 0.1
    adj_parent = jax.random.uniform(ks[3], (K, K), dtype=jnp.float32) / K
    adj_child = jax.random.uniform(ks[4], (K, K), dtype=jnp.float32) / K
    scale = 1.0 / np.sqrt(D)
    W1p = jax.random.normal(ks[5], (D, D), dtype=jnp.float32) * scale
    W1c = jax.random.normal(ks[6], (D, D), dtype=jnp.float32) * scale
    W2p = jax.random.normal(ks[7], (D, D), dtype=jnp.float32) * scale
    W2c = jax.random.normal(ks[8], (D, D), dtype=jnp.float32) * scale
    return {"x": x, "var": var, "label_mat": label_mat,
            "adj_parent": adj_parent, "adj_child": adj_child,
            "W1p": W1p, "W1c": W1c, "W2p": W2p, "W2c": W2c}


def reference(x, var, label_mat, adj_parent, adj_child, W1p, W1c, W2p, W2c):
    # two-layer GCN over the fixed codebook
    lm1 = gcn_parent(label_mat, adj_parent, adj_child, W1p, W1c)
    lm = gcn_parent(lm1, adj_parent, adj_child, W2p, W2c)
    # squared-euclidean code distances [B, K]
    distance = (jnp.sum(x ** 2, axis=1, keepdims=True)
                + jnp.sum(lm ** 2, axis=1)
                - 2.0 * (x @ lm.T))
    # smooth branch (computed as in the original, result unused downstream)
    smooth = 1.0 / (jnp.exp(var) ** 2)
    prob = jnp.exp(-distance * 0.5 * smooth) / jnp.sqrt(smooth)
    probs = prob / jnp.sum(prob, axis=1, keepdims=True)
    del probs
    encoding_indices = jnp.argmin(distance, axis=1)
    quantized_codes = jnp.take(lm, encoding_indices, axis=0)
    # straight-through estimator
    quantized = x + jax.lax.stop_gradient(quantized_codes - x)
    new_dis = -distance
    return quantized, new_dis

if __name__ == "__main__":
    import jax
    _d = setup_inputs()
    print(jax.jit(kernel)(*tuple(_d.values())))

</pallas_src>

<mosaic_0001>
#map = affine_map<(d0, d1) -> (0, 0)>
#map1 = affine_map<(d0, d1) -> (0)>
module attributes {stable_mosaic.version = 14 : i64} {
  func.func @_gather_body(%arg0: i32, %arg1: i32, %arg2: memref<1024x256xf32, #tpu.memory_space<hbm>>, %arg3: memref<512xi32, #tpu.memory_space<hbm>>, %arg4: memref<512x256xf32, #tpu.memory_space<hbm>>, %arg5: memref<16xi32, #tpu.memory_space<vmem>>, %arg6: memref<2x16x256xf32, #tpu.memory_space<vmem>>, %arg7: memref<!tpu.dma_semaphore, #tpu.memory_space<semaphore_mem>>, %arg8: memref<!tpu.dma_semaphore, #tpu.memory_space<semaphore_mem>>, %arg9: memref<!tpu.dma_semaphore, #tpu.memory_space<semaphore_mem>>, %arg10: memref<!tpu.dma_semaphore, #tpu.memory_space<semaphore_mem>>) attributes {dimension_semantics = [#tpu.dimension_semantics<core_parallel>, #tpu.dimension_semantics<subcore_parallel>], iteration_bounds = array<i64: 2, 16>, scalar_prefetch = 0 : i64, scratch_operands = 6 : i64, tpu.core_type = #tpu.core_type<sc_vector_subcore>, window_params = [{transform_indices = #map}, {transform_indices = #map1}, {transform_indices = #map}]} {
    %mul3A = arith.constant 2 : i32
    %mul3A_0 = arith.muli %arg1, %mul3A : i32
    %add3A = arith.addi %mul3A_0, %arg0 : i32
    %mul3A_1 = arith.constant 16 : i32
    %mul3A_2 = arith.muli %add3A, %mul3A_1 : i32
    "tpu.region"() ({
      %run_scoped3A = tpu.sem_alloc : memref<!tpu.dma_semaphore, #tpu.memory_space<semaphore_mem>>
      %dma_start3A_49 = tpu.memref_slice %arg3[%mul3A_2] : memref<512xi32, #tpu.memory_space<hbm>> -> memref<16xi32, #tpu.memory_space<hbm>>
      %dma_start3A_50 = tpu.memref_slice %arg3[%mul3A_2] : memref<512xi32, #tpu.memory_space<hbm>> -> memref<16xi32, #tpu.memory_space<hbm>>
      tpu.enqueue_dma source(%dma_start3A_50 : memref<16xi32, #tpu.memory_space<hbm>>) target(%arg5 : memref<16xi32, #tpu.memory_space<vmem>>) target_semaphore(%run_scoped3A : memref<!tpu.dma_semaphore, #tpu.memory_space<semaphore_mem>>)
      %dma_wait3A_51 = tpu.memref_slice %arg3[%mul3A_2] : memref<512xi32, #tpu.memory_space<hbm>> -> memref<16xi32, #tpu.memory_space<hbm>>
      %dma_wait3A_52 = tpu.memref_slice %arg3[%mul3A_2] : memref<512xi32, #tpu.memory_space<hbm>> -> memref<16xi32, #tpu.memory_space<hbm>>
      tpu.wait_dma2 semaphore(%run_scoped3A : memref<!tpu.dma_semaphore, #tpu.memory_space<semaphore_mem>>) src(%dma_wait3A_52 : memref<16xi32, #tpu.memory_space<hbm>>) dst(%arg5 : memref<16xi32, #tpu.memory_space<vmem>>)
      tpu.yield
    }) : () -> ()
    %dma_start3A = arith.constant 0 : i32
    %dma_start3A_3 = arith.constant 0 : i32
    %dma_start3A_4 = arith.constant 0 : i32
    %dma_start3A_5 = tpu.memref_slice %arg6[%dma_start3A, %dma_start3A_3, %dma_start3A_4] : memref<2x16x256xf32, #tpu.memory_space<vmem>> -> memref<1x16x256xf32, #tpu.memory_space<vmem>>
    %dma_start3A_6 = tpu.memref_squeeze %dma_start3A_5 : memref<1x16x256xf32, #tpu.memory_space<vmem>> -> memref<16x256xf32, #tpu.memory_space<vmem>>
    %dma_start3A_7 = arith.constant 0 : i32
    %dma_start3A_8 = tpu.memref_slice %arg5[%dma_start3A_7] : memref<16xi32, #tpu.memory_space<vmem>> -> memref<16xi32, #tpu.memory_space<vmem>>
    %dma_start3A_9 = arith.constant 0 : i32
    %dma_start3A_10 = arith.constant 0 : i32
    %dma_start3A_11 = tpu.memref_slice %arg2[%dma_start3A_9, %dma_start3A_10] : memref<1024x256xf32, #tpu.memory_space<hbm>> -> memref<1024x256xf32, #tpu.memory_space<hbm>>
    tpu.enqueue_indirect_dma source(%dma_start3A_11 : memref<1024x256xf32, #tpu.memory_space<hbm>>) target(%dma_start3A_6 : memref<16x256xf32, #tpu.memory_space<vmem>>) offsets(%dma_start3A_8 : memref<16xi32, #tpu.memory_space<vmem>>) semaphore(%arg7 : memref<!tpu.dma_semaphore, #tpu.memory_space<semaphore_mem>>)
    %dma_wait3A = arith.constant 0 : i32
    %dma_wait3A_12 = arith.constant 0 : i32
    %dma_wait3A_13 = arith.constant 0 : i32
    %dma_wait3A_14 = tpu.memref_slice %arg6[%dma_wait3A, %dma_wait3A_12, %dma_wait3A_13] : memref<2x16x256xf32, #tpu.memory_space<vmem>> -> memref<1x16x256xf32, #tpu.memory_space<vmem>>
    %dma_wait3A_15 = tpu.memref_squeeze %dma_wait3A_14 : memref<1x16x256xf32, #tpu.memory_space<vmem>> -> memref<16x256xf32, #tpu.memory_space<vmem>>
    %dma_wait3A_16 = arith.constant 0 : i32
    %dma_wait3A_17 = tpu.memref_slice %arg5[%dma_wait3A_16] : memref<16xi32, #tpu.memory_space<vmem>> -> memref<16xi32, #tpu.memory_space<vmem>>
    %dma_wait3A_18 = arith.constant 0 : i32
    %dma_wait3A_19 = arith.constant 0 : i32
    %dma_wait3A_20 = tpu.memref_slice %arg2[%dma_wait3A_18, %dma_wait3A_19] : memref<1024x256xf32, #tpu.memory_space<hbm>> -> memref<1024x256xf32, #tpu.memory_space<hbm>>
    tpu.wait_indirect_dma semaphore(%arg7 : memref<!tpu.dma_semaphore, #tpu.memory_space<semaphore_mem>>) src(%dma_wait3A_20 : memref<1024x256xf32, #tpu.memory_space<hbm>>) dst(%dma_wait3A_15 : memref<16x256xf32, #tpu.memory_space<vmem>>)
    %add3A_21 = arith.constant 0 : i32
    %add3A_22 = arith.addi %mul3A_2, %add3A_21 : i32
    %dma_start3A_23 = arith.constant 0 : i32
    %dma_start3A_24 = arith.constant 0 : i32
    %dma_start3A_25 = arith.constant 0 : i32
    %dma_start3A_26 = tpu.memref_slice %arg6[%dma_start3A_23, %dma_start3A_24, %dma_start3A_25] : memref<2x16x256xf32, #tpu.memory_space<vmem>> -> memref<1x16x256xf32, #tpu.memory_space<vmem>>
    %dma_start3A_27 = tpu.memref_squeeze %dma_start3A_26 : memref<1x16x256xf32, #tpu.memory_space<vmem>> -> memref<16x256xf32, #tpu.memory_space<vmem>>
    %dma_start3A_28 = arith.constant 0 : i32
    %dma_start3A_29 = tpu.memref_slice %arg4[%add3A_22, %dma_start3A_28] : memref<512x256xf32, #tpu.memory_space<hbm>> -> memref<16x256xf32, #tpu.memory_space<hbm>>
    %dma_start3A_30 = arith.constant 0 : i32
    %dma_start3A_31 = tpu.memref_slice %arg4[%add3A_22, %dma_start3A_30] : memref<512x256xf32, #tpu.memory_space<hbm>> -> memref<16x256xf32, #tpu.memory_space<hbm>>
    %dma_start3A_32 = arith.constant 0 : i32
    %dma_start3A_33 = arith.constant 0 : i32
    %dma_start3A_34 = tpu.memref_slice %arg6[%dma_start3A_23, %dma_start3A_32, %dma_start3A_33] : memref<2x16x256xf32, #tpu.memory_space<vmem>> -> memref<1x16x256xf32, #tpu.memory_space<vmem>>
    %dma_start3A_35 = tpu.memref_squeeze %dma_start3A_34 : memref<1x16x256xf32, #tpu.memory_space<vmem>> -> memref<16x256xf32, #tpu.memory_space<vmem>>
    tpu.enqueue_dma source(%dma_start3A_35 : memref<16x256xf32, #tpu.memory_space<vmem>>) target(%dma_start3A_31 : memref<16x256xf32, #tpu.memory_space<hbm>>) target_semaphore(%arg9 : memref<!tpu.dma_semaphore, #tpu.memory_space<semaphore_mem>>)
    %dma_wait3A_36 = arith.constant 0 : i32
    %dma_wait3A_37 = arith.constant 0 : i32
    %dma_wait3A_38 = arith.constant 0 : i32
    %dma_wait3A_39 = tpu.memref_slice %arg6[%dma_wait3A_36, %dma_wait3A_37, %dma_wait3A_38] : memref<2x16x256xf32, #tpu.memory_space<vmem>> -> memref<1x16x256xf32, #tpu.memory_space<vmem>>
    %dma_wait3A_40 = tpu.memref_squeeze %dma_wait3A_39 : memref<1x16x256xf32, #tpu.memory_space<vmem>> -> memref<16x256xf32, #tpu.memory_space<vmem>>
    %dma_wait3A_41 = arith.constant 0 : i32
    %dma_wait3A_42 = tpu.memref_slice %arg4[%add3A_22, %dma_wait3A_41] : memref<512x256xf32, #tpu.memory_space<hbm>> -> memref<16x256xf32, #tpu.memory_space<hbm>>
    %dma_wait3A_43 = arith.constant 0 : i32
    %dma_wait3A_44 = tpu.memref_slice %arg4[%add3A_22, %dma_wait3A_43] : memref<512x256xf32, #tpu.memory_space<hbm>> -> memref<16x256xf32, #tpu.memory_space<hbm>>
    %dma_wait3A_45 = arith.constant 0 : i32
    %dma_wait3A_46 = arith.constant 0 : i32
    %dma_wait3A_47 = tpu.memref_slice %arg6[%dma_wait3A_36, %dma_wait3A_45, %dma_wait3A_46] : memref<2x16x256xf32, #tpu.memory_space<vmem>> -> memref<1x16x256xf32, #tpu.memory_space<vmem>>
    %dma_wait3A_48 = tpu.memref_squeeze %dma_wait3A_47 : memref<1x16x256xf32, #tpu.memory_space<vmem>> -> memref<16x256xf32, #tpu.memory_space<vmem>>
    tpu.wait_dma2 semaphore(%arg9 : memref<!tpu.dma_semaphore, #tpu.memory_space<semaphore_mem>>) src(%dma_wait3A_48 : memref<16x256xf32, #tpu.memory_space<vmem>>) dst(%dma_wait3A_44 : memref<16x256xf32, #tpu.memory_space<hbm>>)
    return
  }
}

module attributes {stable_mosaic.version = 14 : i64} {
  func.func @_dist_body(%arg0: i32, %arg1: memref<512x256xf32, #tpu.memory_space<vmem>>, %arg2: memref<1024x256xf32, #tpu.memory_space<vmem>>, %arg3: memref<1024x1xf32, #tpu.memory_space<vmem>>, %arg4: memref<512x1024xf32, #tpu.memory_space<vmem>>, %arg5: memref<1x1x512xi32, #tpu.memory_space<vmem>>) attributes {dimension_semantics = [#tpu.dimension_semantics<arbitrary>], iteration_bounds = array<i64: 1>, scalar_prefetch = 0 : i64, scratch_operands = 0 : i64, tpu.core_type = #tpu.core_type<tc>, window_params = [{transform_indices = @transform_0, window_bounds = array<i64: 512, 256>}, {pipeline_mode = #tpu.pipeline_mode<synchronous>, transform_indices = @transform_1, window_bounds = array<i64: 1024, 256>}, {pipeline_mode = #tpu.pipeline_mode<synchronous>, transform_indices = @transform_2, window_bounds = array<i64: 1024, 1>}, {transform_indices = @transform_3, window_bounds = array<i64: 512, 1024>}, {transform_indices = @transform_4, window_bounds = array<i64: 1, 1, 512>}]} {
    %get3A = arith.constant 0 : index
    %get3A_0 = arith.constant 0 : index
    %get3A_1 = vector.load %arg1[%get3A, %get3A_0] : memref<512x256xf32, #tpu.memory_space<vmem>>, vector<512x256xf32>
    %mul3A = arith.mulf %get3A_1, %get3A_1 : vector<512x256xf32>
    %reduce_sum3A = arith.constant dense<0.000000e+00> : vector<512xf32>
    %reduce_sum3A_2 = vector.multi_reduction <add>, %mul3A, %reduce_sum3A [1] : vector<512x256xf32> to vector<512xf32>
    %broadcast_in_dim3A = vector.shape_cast %reduce_sum3A_2 : vector<512xf32> to vector<512x1xf32>
    %get3A_3 = arith.constant 0 : index
    %get3A_4 = arith.constant 0 : index
    %get3A_5 = vector.load %arg2[%get3A_3, %get3A_4] : memref<1024x256xf32, #tpu.memory_space<vmem>>, vector<1024x256xf32>
    %dot_general3A = arith.constant dense<0.000000e+00> : vector<512x1024xf32>
    %dot_general3A_6 = tpu.matmul %get3A_1, %get3A_5, %dot_general3A {dimension_numbers = #tpu.dot_dimension_numbers<[1], [1], [0], [0], [0, 0, 1, 0], [], []>, transpose_lhs_hint = false} : vector<512x256xf32>, vector<1024x256xf32>, vector<512x1024xf32> -> vector<512x1024xf32>
    %neg3A = arith.constant 0.000000e+00 : f32
    %neg3A_7 = vector.broadcast %neg3A : f32 to vector<512x1xf32>
    %neg3A_8 = arith.subf %neg3A_7, %broadcast_in_dim3A : vector<512x1xf32>
    %get3A_9 = arith.constant 0 : index
    %get3A_10 = arith.constant 0 : index
    %get3A_11 = vector.load %arg3[%get3A_9, %get3A_10] : memref<1024x1xf32, #tpu.memory_space<vmem>>, vector<1024x1xf32>
    %reshape3A = vector.shape_cast %get3A_11 : vector<1024x1xf32> to vector<1x1024xf32>
    %sub3A = vector.broadcast %neg3A_8 : vector<512x1xf32> to vector<512x1024xf32>
    %sub3A_12 = vector.broadcast %reshape3A : vector<1x1024xf32> to vector<512x1024xf32>
    %sub3A_13 = arith.subf %sub3A, %sub3A_12 : vector<512x1024xf32>
    %sub3A_14 = arith.subf %sub3A_13, %dot_general3A_6 : vector<512x1024xf32>
    %reduce_max3A = arith.constant dense<0xFF800000> : vector<512xf32>
    %reduce_max3A_15 = vector.multi_reduction <maximumf>, %sub3A_14, %reduce_max3A [1] : vector<512x1024xf32> to vector<512xf32>
    %broadcast_in_dim3A_16 = vector.shape_cast %reduce_max3A_15 : vector<512xf32> to vector<512x1xf32>
    %iota3A = tpu.iota {dimensions = array<i32: 1>} : vector<512x1024xi32>
    %eq3A = vector.broadcast %broadcast_in_dim3A_16 : vector<512x1xf32> to vector<512x1024xf32>
    %eq3A_17 = arith.cmpf oeq, %sub3A_14, %eq3A : vector<512x1024xf32>
    %jit3A = arith.constant 1024 : i32
    %broadcast_in_dim3A_18 = vector.broadcast %jit3A : i32 to vector<512x1024xi32>
    %select_n3A = arith.select %eq3A_17, %iota3A, %broadcast_in_dim3A_18 : vector<512x1024xi1>, vector<512x1024xi32>
    %reduce_min3A = arith.constant dense<2147483647> : vector<512xi32>
    %reduce_min3A_19 = vector.multi_reduction <minsi>, %select_n3A, %reduce_min3A [1] : vector<512x1024xi32> to vector<512xi32>
    %swap3A = arith.constant 0 : index
    %swap3A_20 = arith.constant 0 : index
    %swap3A_21 = vector.load %arg4[%swap3A, %swap3A_20] : memref<512x1024xf32, #tpu.memory_space<vmem>>, vector<512x1024xf32>
    tpu.vector_store %arg4[%swap3A, %swap3A_20], %sub3A_14 {strides = array<i32>} : memref<512x1024xf32, #tpu.memory_space<vmem>>, vector<512x1024xf32>,
    %swap3A_22 = arith.constant 0 : index
    %swap3A_23 = arith.constant 0 : index
    %swap3A_24 = arith.constant 0 : index
    %swap3A_25 = vector.load %arg5[%swap3A_22, %swap3A_23, %swap3A_24] : memref<1x1x512xi32, #tpu.memory_space<vmem>>, vector<1x1x512xi32>
    %swap3A_26 = vector.shape_cast %swap3A_25 : vector<1x1x512xi32> to vector<512xi32>
    %swap3A_27 = vector.shape_cast %reduce_min3A_19 : vector<512xi32> to vector<1x1x512xi32>
    tpu.vector_store %arg5[%swap3A_22, %swap3A_23, %swap3A_24], %swap3A_27 {strides = array<i32>} : memref<1x1x512xi32, #tpu.memory_space<vmem>>, vector<1x1x512xi32>,
    return
  }
  func.func @transform_0(%arg0: i32) -> (i32, i32) {
    %add3A = arith.constant 0 : i32
    %add3A_0 = arith.addi %arg0, %add3A : i32
    %c0_i32 = arith.constant 0 : i32
    %c0_i32_1 = arith.constant 0 : i32
    return %add3A_0, %c0_i32 : i32, i32
  }
  func.func @transform_1(%arg0: i32) -> (i32, i32) {
    %c0_i32 = arith.constant 0 : i32
    %c0_i32_0 = arith.constant 0 : i32
    %c0_i32_1 = arith.constant 0 : i32
    return %c0_i32, %c0_i32_0 : i32, i32
  }
  func.func @transform_2(%arg0: i32) -> (i32, i32) {
    %c0_i32 = arith.constant 0 : i32
    %c0_i32_0 = arith.constant 0 : i32
    %c0_i32_1 = arith.constant 0 : i32
    return %c0_i32, %c0_i32_0 : i32, i32
  }
  func.func @transform_3(%arg0: i32) -> (i32, i32) {
    %add3A = arith.constant 0 : i32
    %add3A_0 = arith.addi %arg0, %add3A : i32
    %c0_i32 = arith.constant 0 : i32
    %c0_i32_1 = arith.constant 0 : i32
    return %add3A_0, %c0_i32 : i32, i32
  }
  func.func @transform_4(%arg0: i32) -> (i32, i32, i32) {
    %c0_i32 = arith.constant 0 : i32
    %c0_i32_0 = arith.constant 0 : i32
    %c0_i32_1 = arith.constant 0 : i32
    return %arg0, %c0_i32, %c0_i32_0 : i32, i32, i32
  }
}

module attributes {stable_mosaic.version = 14 : i64} {
  func.func @_gcn_body(%arg0: memref<1024x256xf32, #tpu.memory_space<vmem>>, %arg1: memref<1024x1024xf32, #tpu.memory_space<vmem>>, %arg2: memref<1024x1024xf32, #tpu.memory_space<vmem>>, %arg3: memref<256x256xf32, #tpu.memory_space<vmem>>, %arg4: memref<256x256xf32, #tpu.memory_space<vmem>>, %arg5: memref<256x256xf32, #tpu.memory_space<vmem>>, %arg6: memref<256x256xf32, #tpu.memory_space<vmem>>, %arg7: memref<1024x256xf32, #tpu.memory_space<vmem>>, %arg8: memref<1024x256xf32, #tpu.memory_space<vmem>>, %arg9: memref<1024x1xf32, #tpu.memory_space<vmem>>) attributes {dimension_semantics = [], scalar_prefetch = 0 : i64, scratch_operands = 0 : i64, tpu.core_type = #tpu.core_type<tc>} {
    %get3A = arith.constant 0 : index
    %get3A_0 = arith.constant 0 : index
    %get3A_1 = vector.load %arg0[%get3A, %get3A_0] : memref<1024x256xf32, #tpu.memory_space<vmem>>, vector<1024x256xf32>
    %get3A_2 = arith.constant 0 : index
    %get3A_3 = arith.constant 0 : index
    %get3A_4 = vector.load %arg1[%get3A_2, %get3A_3] : memref<1024x1024xf32, #tpu.memory_space<vmem>>, vector<1024x1024xf32>
    %dot_general3A = arith.constant dense<0.000000e+00> : vector<1024x256xf32>
    %dot_general3A_5 = tpu.matmul %get3A_4, %get3A_1, %dot_general3A {dimension_numbers = #tpu.dot_dimension_numbers<[1], [0], [0], [1], [0, 0, 1, 1], [], []>, transpose_lhs_hint = false} : vector<1024x1024xf32>, vector<1024x256xf32>, vector<1024x256xf32> -> vector<1024x256xf32>
    %get3A_6 = arith.constant 0 : index
    %get3A_7 = arith.constant 0 : index
    %get3A_8 = vector.load %arg3[%get3A_6, %get3A_7] : memref<256x256xf32, #tpu.memory_space<vmem>>, vector<256x256xf32>
    %dot_general3A_9 = arith.constant dense<0.000000e+00> : vector<1024x256xf32>
    %dot_general3A_10 = tpu.matmul %dot_general3A_5, %get3A_8, %dot_general3A_9 {dimension_numbers = #tpu.dot_dimension_numbers<[1], [0], [0], [1], [0, 0, 1, 1], [], []>, transpose_lhs_hint = false} : vector<1024x256xf32>, vector<256x256xf32>, vector<1024x256xf32> -> vector<1024x256xf32>
    %get3A_11 = arith.constant 0 : index
    %get3A_12 = arith.constant 0 : index
    %get3A_13 = vector.load %arg2[%get3A_11, %get3A_12] : memref<1024x1024xf32, #tpu.memory_space<vmem>>, vector<1024x1024xf32>
    %dot_general3A_14 = arith.constant dense<0.000000e+00> : vector<1024x256xf32>
    %dot_general3A_15 = tpu.matmul %get3A_13, %get3A_1, %dot_general3A_14 {dimension_numbers = #tpu.dot_dimension_numbers<[1], [0], [0], [1], [0, 0, 1, 1], [], []>, transpose_lhs_hint = false} : vector<1024x1024xf32>, vector<1024x256xf32>, vector<1024x256xf32> -> vector<1024x256xf32>
    %get3A_16 = arith.constant 0 : index
    %get3A_17 = arith.constant 0 : index
    %get3A_18 = vector.load %arg4[%get3A_16, %get3A_17] : memref<256x256xf32, #tpu.memory_space<vmem>>, vector<256x256xf32>
    %dot_general3A_19 = arith.constant dense<0.000000e+00> : vector<1024x256xf32>
    %dot_general3A_20 = tpu.matmul %dot_general3A_15, %get3A_18, %dot_general3A_19 {dimension_numbers = #tpu.dot_dimension_numbers<[1], [0], [0], [1], [0, 0, 1, 1], [], []>, transpose_lhs_hint = false} : vector<1024x256xf32>, vector<256x256xf32>, vector<1024x256xf32> -> vector<1024x256xf32>
    %add3A = arith.addf %dot_general3A_10, %dot_general3A_20 : vector<1024x256xf32>
    %max3A = arith.constant 0.000000e+00 : f32
    %max3A_21 = vector.broadcast %max3A : f32 to vector<1024x256xf32>
    %max3A_22 = arith.maximumf %add3A, %max3A_21 : vector<1024x256xf32>
    %get3A_23 = arith.constant 0 : index
    %get3A_24 = arith.constant 0 : index
    %get3A_25 = vector.load %arg1[%get3A_23, %get3A_24] : memref<1024x1024xf32, #tpu.memory_space<vmem>>, vector<1024x1024xf32>
    %dot_general3A_26 = arith.constant dense<0.000000e+00> : vector<1024x256xf32>
    %dot_general3A_27 = tpu.matmul %get3A_25, %max3A_22, %dot_general3A_26 {dimension_numbers = #tpu.dot_dimension_numbers<[1], [0], [0], [1], [0, 0, 1, 1], [], []>, transpose_lhs_hint = false} : vector<1024x1024xf32>, vector<1024x256xf32>, vector<1024x256xf32> -> vector<1024x256xf32>
    %get3A_28 = arith.constant 0 : index
    %get3A_29 = arith.constant 0 : index
    %get3A_30 = vector.load %arg5[%get3A_28, %get3A_29] : memref<256x256xf32, #tpu.memory_space<vmem>>, vector<256x256xf32>
    %dot_general3A_31 = arith.constant dense<0.000000e+00> : vector<1024x256xf32>
    %dot_general3A_32 = tpu.matmul %dot_general3A_27, %get3A_30, %dot_general3A_31 {dimension_numbers = #tpu.dot_dimension_numbers<[1], [0], [0], [1], [0, 0, 1, 1], [], []>, transpose_lhs_hint = false} : vector<1024x256xf32>, vector<256x256xf32>, vector<1024x256xf32> -> vector<1024x256xf32>
    %get3A_33 = arith.constant 0 : index
    %get3A_34 = arith.constant 0 : index
    %get3A_35 = vector.load %arg2[%get3A_33, %get3A_34] : memref<1024x1024xf32, #tpu.memory_space<vmem>>, vector<1024x1024xf32>
    %dot_general3A_36 = arith.constant dense<0.000000e+00> : vector<1024x256xf32>
    %dot_general3A_37 = tpu.matmul %get3A_35, %max3A_22, %dot_general3A_36 {dimension_numbers = #tpu.dot_dimension_numbers<[1], [0], [0], [1], [0, 0, 1, 1], [], []>, transpose_lhs_hint = false} : vector<1024x1024xf32>, vector<1024x256xf32>, vector<1024x256xf32> -> vector<1024x256xf32>
    %get3A_38 = arith.constant 0 : index
    %get3A_39 = arith.constant 0 : index
    %get3A_40 = vector.load %arg6[%get3A_38, %get3A_39] : memref<256x256xf32, #tpu.memory_space<vmem>>, vector<256x256xf32>
    %dot_general3A_41 = arith.constant dense<0.000000e+00> : vector<1024x256xf32>
    %dot_general3A_42 = tpu.matmul %dot_general3A_37, %get3A_40, %dot_general3A_41 {dimension_numbers = #tpu.dot_dimension_numbers<[1], [0], [0], [1], [0, 0, 1, 1], [], []>, transpose_lhs_hint = false} : vector<1024x256xf32>, vector<256x256xf32>, vector<1024x256xf32> -> vector<1024x256xf32>
    %add3A_43 = arith.addf %dot_general3A_32, %dot_general3A_42 : vector<1024x256xf32>
    %max3A_44 = arith.constant 0.000000e+00 : f32
    %max3A_45 = vector.broadcast %max3A_44 : f32 to vector<1024x256xf32>
    %max3A_46 = arith.maximumf %add3A_43, %max3A_45 : vector<1024x256xf32>
    %swap3A = arith.constant 0 : index
    %swap3A_47 = arith.constant 0 : index
    %swap3A_48 = vector.load %arg7[%swap3A, %swap3A_47] : memref<1024x256xf32, #tpu.memory_space<vmem>>, vector<1024x256xf32>
    tpu.vector_store %arg7[%swap3A, %swap3A_47], %max3A_46 {strides = array<i32>} : memref<1024x256xf32, #tpu.memory_space<vmem>>, vector<1024x256xf32>,
    %mul3A = arith.constant -2.000000e+00 : f32
    %mul3A_49 = vector.broadcast %mul3A : f32 to vector<1024x256xf32>
    %mul3A_50 = arith.mulf %mul3A_49, %max3A_46 : vector<1024x256xf32>
    %swap3A_51 = arith.constant 0 : index
    %swap3A_52 = arith.constant 0 : index
    %swap3A_53 = vector.load %arg8[%swap3A_51, %swap3A_52] : memref<1024x256xf32, #tpu.memory_space<vmem>>, vector<1024x256xf32>
    tpu.vector_store %arg8[%swap3A_51, %swap3A_52], %mul3A_50 {strides = array<i32>} : memref<1024x256xf32, #tpu.memory_space<vmem>>, vector<1024x256xf32>,
    %mul3A_54 = arith.mulf %max3A_46, %max3A_46 : vector<1024x256xf32>
    %reduce_sum3A = arith.constant dense<0.000000e+00> : vector<1024xf32>
    %reduce_sum3A_55 = vector.multi_reduction <add>, %mul3A_54, %reduce_sum3A [1] : vector<1024x256xf32> to vector<1024xf32>
    %broadcast_in_dim3A = vector.shape_cast %reduce_sum3A_55 : vector<1024xf32> to vector<1024x1xf32>
    %swap3A_56 = arith.constant 0 : index
    %swap3A_57 = arith.constant 0 : index
    %swap3A_58 = vector.load %arg9[%swap3A_56, %swap3A_57] : memref<1024x1xf32, #tpu.memory_space<vmem>>, vector<1024x1xf32>
    tpu.vector_store %arg9[%swap3A_56, %swap3A_57], %broadcast_in_dim3A {strides = array<i32>} : memref<1024x1xf32, #tpu.memory_space<vmem>>, vector<1024x1xf32>,
    return
  }
}

module attributes {stable_mosaic.version = 14 : i64} {
  func.func @_dist_quant_body(%arg0: i32, %arg1: memref<512x256xf32, #tpu.memory_space<vmem>>, %arg2: memref<1024x256xf32, #tpu.memory_space<vmem>>, %arg3: memref<1024x1xf32, #tpu.memory_space<vmem>>, %arg4: memref<1024x256xf32, #tpu.memory_space<vmem>>, %arg5: memref<16384x1024xf32, #tpu.memory_space<any>>, %arg6: memref<512x1024xf32, #tpu.memory_space<vmem>>, %arg7: memref<512x256xf32, #tpu.memory_space<vmem>>) attributes {dimension_semantics = [#tpu.dimension_semantics<arbitrary>], iteration_bounds = array<i64: 31>, scalar_prefetch = 0 : i64, scratch_operands = 0 : i64, tpu.core_type = #tpu.core_type<tc>, window_params = [{transform_indices = @transform_0, window_bounds = array<i64: 512, 256>}, {pipeline_mode = #tpu.pipeline_mode<synchronous>, transform_indices = @transform_1, window_bounds = array<i64: 1024, 256>}, {pipeline_mode = #tpu.pipeline_mode<synchronous>, transform_indices = @transform_2, window_bounds = array<i64: 1024, 1>}, {pipeline_mode = #tpu.pipeline_mode<synchronous>, transform_indices = @transform_3, window_bounds = array<i64: 1024, 256>}, {}, {transform_indices = @transform_5, window_bounds = array<i64: 512, 1024>}, {transform_indices = @transform_6, window_bounds = array<i64: 512, 256>}]} {
    %get3A = arith.constant 0 : index
    %get3A_0 = arith.constant 0 : index
    %get3A_1 = vector.load %arg1[%get3A, %get3A_0] : memref<512x256xf32, #tpu.memory_space<vmem>>, vector<512x256xf32>
    %mul3A = arith.mulf %get3A_1, %get3A_1 : vector<512x256xf32>
    %reduce_sum3A = arith.constant dense<0.000000e+00> : vector<512xf32>
    %reduce_sum3A_2 = vector.multi_reduction <add>, %mul3A, %reduce_sum3A [1] : vector<512x256xf32> to vector<512xf32>
    %broadcast_in_dim3A = vector.shape_cast %reduce_sum3A_2 : vector<512xf32> to vector<512x1xf32>
    %get3A_3 = arith.constant 0 : index
    %get3A_4 = arith.constant 0 : index
    %get3A_5 = vector.load %arg2[%get3A_3, %get3A_4] : memref<1024x256xf32, #tpu.memory_space<vmem>>, vector<1024x256xf32>
    %dot_general3A = arith.constant dense<0.000000e+00> : vector<512x1024xf32>
    %dot_general3A_6 = tpu.matmul %get3A_1, %get3A_5, %dot_general3A {dimension_numbers = #tpu.dot_dimension_numbers<[1], [1], [0], [0], [0, 0, 1, 0], [], []>, transpose_lhs_hint = false} : vector<512x256xf32>, vector<1024x256xf32>, vector<512x1024xf32> -> vector<512x1024xf32>
    %neg3A = arith.constant 0.000000e+00 : f32
    %neg3A_7 = vector.broadcast %neg3A : f32 to vector<512x1xf32>
    %neg3A_8 = arith.subf %neg3A_7, %broadcast_in_dim3A : vector<512x1xf32>
    %get3A_9 = arith.constant 0 : index
    %get3A_10 = arith.constant 0 : index
    %get3A_11 = vector.load %arg3[%get3A_9, %get3A_10] : memref<1024x1xf32, #tpu.memory_space<vmem>>, vector<1024x1xf32>
    %reshape3A = vector.shape_cast %get3A_11 : vector<1024x1xf32> to vector<1x1024xf32>
    %sub3A = vector.broadcast %neg3A_8 : vector<512x1xf32> to vector<512x1024xf32>
    %sub3A_12 = vector.broadcast %reshape3A : vector<1x1024xf32> to vector<512x1024xf32>
    %sub3A_13 = arith.subf %sub3A, %sub3A_12 : vector<512x1024xf32>
    %sub3A_14 = arith.subf %sub3A_13, %dot_general3A_6 : vector<512x1024xf32>
    %reduce_max3A = arith.constant dense<0xFF800000> : vector<512xf32>
    %reduce_max3A_15 = vector.multi_reduction <maximumf>, %sub3A_14, %reduce_max3A [1] : vector<512x1024xf32> to vector<512xf32>
    %broadcast_in_dim3A_16 = vector.shape_cast %reduce_max3A_15 : vector<512xf32> to vector<512x1xf32>
    %iota3A = tpu.iota {dimensions = array<i32: 1>} : vector<512x1024xi32>
    %eq3A = vector.broadcast %broadcast_in_dim3A_16 : vector<512x1xf32> to vector<512x1024xf32>
    %eq3A_17 = arith.cmpf oeq, %sub3A_14, %eq3A : vector<512x1024xf32>
    %jit3A = arith.constant 1024 : i32
    %broadcast_in_dim3A_18 = vector.broadcast %jit3A : i32 to vector<512x1024xi32>
    %select_n3A = arith.select %eq3A_17, %iota3A, %broadcast_in_dim3A_18 : vector<512x1024xi1>, vector<512x1024xi32>
    %reduce_min3A = arith.constant dense<2147483647> : vector<512xi32>
    %reduce_min3A_19 = vector.multi_reduction <minsi>, %select_n3A, %reduce_min3A [1] : vector<512x1024xi32> to vector<512xi32>
    %swap3A = arith.constant 0 : index
    %swap3A_20 = arith.constant 0 : index
    %swap3A_21 = vector.load %arg6[%swap3A, %swap3A_20] : memref<512x1024xf32, #tpu.memory_space<vmem>>, vector<512x1024xf32>
    tpu.vector_store %arg6[%swap3A, %swap3A_20], %sub3A_14 {strides = array<i32>} : memref<512x1024xf32, #tpu.memory_space<vmem>>, vector<512x1024xf32>,
    %broadcast_in_dim3A_22 = vector.shape_cast %reduce_min3A_19 : vector<512xi32> to vector<512x1xi32>
    %eq3A_23 = vector.broadcast %broadcast_in_dim3A_22 : vector<512x1xi32> to vector<512x1024xi32>
    %eq3A_24 = arith.cmpi eq, %iota3A, %eq3A_23 : vector<512x1024xi32>
    %convert_element_type3A = arith.extui %eq3A_24 : vector<512x1024xi1> to vector<512x1024xi32>
    %convert_element_type3A_25 = arith.sitofp %convert_element_type3A : vector<512x1024xi32> to vector<512x1024xf32>
    %get3A_26 = arith.constant 0 : index
    %get3A_27 = arith.constant 0 : index
    %get3A_28 = vector.load %arg4[%get3A_26, %get3A_27] : memref<1024x256xf32, #tpu.memory_space<vmem>>, vector<1024x256xf32>
    %dot_general3A_29 = arith.constant dense<0.000000e+00> : vector<512x256xf32>
    %dot_general3A_30 = tpu.matmul %convert_element_type3A_25, %get3A_28, %dot_general3A_29 {dimension_numbers = #tpu.dot_dimension_numbers<[1], [0], [0], [1], [0, 0, 1, 1], [], []>, transpose_lhs_hint = false} : vector<512x1024xf32>, vector<1024x256xf32>, vector<512x256xf32> -> vector<512x256xf32>
    %swap3A_31 = arith.constant 0 : index
    %swap3A_32 = arith.constant 0 : index
    %swap3A_33 = vector.load %arg7[%swap3A_31, %swap3A_32] : memref<512x256xf32, #tpu.memory_space<vmem>>, vector<512x256xf32>
    tpu.vector_store %arg7[%swap3A_31, %swap3A_32], %dot_general3A_30 {strides = array<i32>} : memref<512x256xf32, #tpu.memory_space<vmem>>, vector<512x256xf32>,
    return
  }
  func.func @transform_0(%arg0: i32) -> (i32, i32) {
    %add3A = arith.constant 1 : i32
    %add3A_0 = arith.addi %arg0, %add3A : i32
    %c0_i32 = arith.constant 0 : i32
    %c0_i32_1 = arith.constant 0 : i32
    return %add3A_0, %c0_i32 : i32, i32
  }
  func.func @transform_1(%arg0: i32) -> (i32, i32) {
    %c0_i32 = arith.constant 0 : i32
    %c0_i32_0 = arith.constant 0 : i32
    %c0_i32_1 = arith.constant 0 : i32
    return %c0_i32, %c0_i32_0 : i32, i32
  }
  func.func @transform_2(%arg0: i32) -> (i32, i32) {
    %c0_i32 = arith.constant 0 : i32
    %c0_i32_0 = arith.constant 0 : i32
    %c0_i32_1 = arith.constant 0 : i32
    return %c0_i32, %c0_i32_0 : i32, i32
  }
  func.func @transform_3(%arg0: i32) -> (i32, i32) {
    %c0_i32 = arith.constant 0 : i32
    %c0_i32_0 = arith.constant 0 : i32
    %c0_i32_1 = arith.constant 0 : i32
    return %c0_i32, %c0_i32_0 : i32, i32
  }
  func.func @transform_5(%arg0: i32) -> (i32, i32) {
    %add3A = arith.constant 1 : i32
    %add3A_0 = arith.addi %arg0, %add3A : i32
    %c0_i32 = arith.constant 0 : i32
    %c0_i32_1 = arith.constant 0 : i32
    return %add3A_0, %c0_i32 : i32, i32
  }
  func.func @transform_6(%arg0: i32) -> (i32, i32) {
    %c0_i32 = arith.constant 0 : i32
    %c0_i32_0 = arith.constant 0 : i32
    return %arg0, %c0_i32 : i32, i32
  }
}

</mosaic_0001>

<sc_bundles>
// kernel: kernel.6.cloned.1.call-start
scs
__scs_entry_jumppad:
0x0: {  	(pc) =	sbr.rel $0x88, $3  }
0x1: {  	(tag) =	ssettag $0x0;
	lr =	simm.s32 $0x1  }
0x2: {  	[smem:$0x3F99] =	sst lr;
	_ =	strace $0xD0000000  }
0x3: {  	_ = 	snop  }
0x4: {  	_ = 	snop  }
0x5: {  	_ = 	snop  }
0x6: {  	_ = 	snop  }
0x7: {  	_ = 	snop  }
__scs_overlays_trampoline_lowered:
0x8: {  	[smem:$0x3FA8] =	sst s0  }
0x9: {  	[smem:$0x3FA9] =	sst s1  }
0xa: {  	[smem:$0x3FAA] =	sst s2  }
0xb: {  	[smem:$0x3FAB] =	sst s3  }
0xc: {  	[smem:$0x3FAC] =	sst s4  }
0xd: {  	[smem:$0x3FAD] =	sst s5  }
0xe: {  	[smem:$0x3FAE] =	sst s6  }
0xf: {  	[smem:$0x3FAF] =	sst s7  }
0x10: {  	[smem:$0x3FB0] =	sst s8  }
0x11: {  	[smem:$0x3FB1] =	sst s9;
	s0 =	simm.s32 @!p0 $0x0  }
0x12: {  	s1 =	sld [smem:$0x3F97];
	s0 =	simm.s32 @p0 $0x1  }
0x13: {  	[smem:$0x3FB2] =	sst s0;
	s0 =	simm.s32 @!p1 $0x0  }
0x14: {  	s2 =	sld [smem:$0x3F96];
	s0 =	simm.s32 @p1 $0x1  }
0x15: {  	[smem:$0x3FB3] =	sst s0;
	s0 =	simm.s32 @!p2 $0x0  }
0x16: {  	s3 =	sld [smem:$0x3FDB];
	s0 =	simm.s32 @p2 $0x1  }
0x17: {  	s4 =	simm.s32 $0x1BF5;
	[smem:$0x3FB5] =	sst s0  }
0x18: {  	s0 =	sld [smem:$0x3F98];
	_ =	swait.ge [sflag:s4], $0x0  }
0x19: {  	s7 =	sld [smem:$0x3F99]  }
0x1a: {  	s8 =	sadd.s32 $0xFFFFE003, lr  }
0x1b: {  	s9 =	sadd.s32 $0xFFFFFEF7, lr;
	s5 =	simm.s32 $0xFFFFFFFF;
	p2 =	slt.u32 s8, $0xFFFFF086  }
0x1c: {  	p1 =	slt.u32 s9, $0xF7A;
	s5 =	simm.s32 @!p2 $0x0  }
0x1d: {  	s5 =	simm.s32 @p1 $0x1;
	p0 =	seq.s32 s7, s2  }
0x1e: {  	s7 =	smul.u32 @!p0 $0xF7A, s2;
	p2 =	seq.s32 @!p0 s5, $0x0  }
0x1f: {  	s9 =	smul.u32 $0xF7A, s1;
	s8 =	simm.s32 @!p0 $0x1BF5;
	p2 =	por !p2, p0  }
0x20: {  	[sflag:s8] =	ssyncset.s32 @!p0 $0xFFFFF086;
	s6 =	sadd.s32 @!p0 s3, s7;
	s7 =	simm.s32 @!p0 $0x108  }
0x21: {  	s3 =	sadd.s32 s3, s9;
	s6 =	sadd.s32 @!p0 $0x88, s6;
	s7 =	simm.s32 @p2 $0x1082  }
0x22: {  	[simem:s7], [sflag:s8] =	dma.local @!p0 [hbm:s6], $0xF7A  }
0x23: {  	s9 =	sor.u32 $0xD0000000, s2;
	s6 =	simm.s32 $0x108;
	_ =	swait.ge @!p0 [sflag:s8], $0x0  }
0x24: {  	s3 =	sadd.s32 $0x88, s3;
	s6 =	simm.s32 @!p1 $0x1082;
	[sflag:s4] =	ssyncset.s32 $0xFFFFF086  }
0x25: {  	[simem:s6], [sflag:s4] =	dma.local [hbm:s3], $0xF7A  }
0x26: {  	[smem:$0x3F99] =	sst s1;
	(tag) =	ssettag s2;
	_ =	strace s9  }
0x27: {  	s1 =	sld [smem:$0x3FA9]  }
0x28: {  	s2 =	sld [smem:$0x3FAA]  }
0x29: {  	s4 =	sld [smem:$0x3FAC]  }
0x2a: {  	p0 =	seq.s32 s5, $0x0;
	s5 =	sld [smem:$0x3FAD]  }
0x2b: {  	s6 =	sld [smem:$0x3FAE]  }
0x2c: {  	s7 =	sld [smem:$0x3FAF]  }
0x2d: {  	s3 =	simm.s32 $0x108;
	s8 =	sld [smem:$0x3FB0]  }
0x2e: {  	s3 =	simm.s32 @!p0 $0x1082;
	s9 =	sld [smem:$0x3FB1]  }
0x2f: {  	lr =	sadd.s32 s0, s3;
	s0 =	sld [smem:$0x3FA8]  }
0x30: {  	s3 =	sld [smem:$0x3FAB]  }
0x31: {  	[smem:$0x3FB4] =	sst s10  }
0x32: {  	s10 =	sld [smem:$0x3FB2];
	_ =	sdelay $0x3  }
0x33: {  	p0 =	seq.s32 s10, $0x1;
	s10 =	sld [smem:$0x3FB4];
	_ =	sdelay $0x3  }
0x34: {  	[smem:$0x3FB4] =	sst s10  }
0x35: {  	s10 =	sld [smem:$0x3FB3];
	_ =	sdelay $0x3  }
0x36: {  	p1 =	seq.s32 s10, $0x1;
	s10 =	sld [smem:$0x3FB4];
	_ =	sdelay $0x3  }
0x37: {  	[smem:$0x3FB4] =	sst s10  }
0x38: {  	s10 =	sld [smem:$0x3FB5]  }
0x39: {  	_ = 	snop;
	(pc) =	sbr.ind lr, $3  }
0x3a: {  	_ = 	snop  }
0x3b: {  	_ = 	snop  }
0x3c: {  	p2 =	seq.s32 s10, $0x1;
	s10 =	sld [smem:$0x3FB4]  }
0x3d: {  	_ =	shalt  }
0x3e: {  	_ =	shalt  }
0x3f: {  	_ =	shalt  }
0x40: {  	_ =	shalt  }
0x41: {  	_ =	shalt  }
0x42: {  	_ =	shalt  }
0x43: {  	_ =	shalt  }
0x44: {  	_ =	shalt  }
0x45: {  	_ =	shalt  }
0x46: {  	_ =	shalt  }
0x47: {  	_ =	shalt  }
0x48: {  	_ =	shalt  }
0x49: {  	_ =	shalt  }
0x4a: {  	_ =	shalt  }
0x4b: {  	_ =	shalt  }
0x4c: {  	_ =	shalt  }
0x4d: {  	_ =	shalt  }
0x4e: {  	_ =	shalt  }
0x4f: {  	_ =	shalt  }
0x50: {  	_ =	shalt  }
0x51: {  	_ =	shalt  }
0x52: {  	_ =	shalt  }
0x53: {  	_ =	shalt  }
0x54: {  	_ =	shalt  }
0x55: {  	_ =	shalt  }
0x56: {  	_ =	shalt  }
0x57: {  	_ =	shalt  }
0x58: {  	_ =	shalt  }
0x59: {  	_ =	shalt  }
0x5a: {  	_ =	shalt  }
0x5b: {  	_ =	shalt  }
0x5c: {  	_ =	shalt  }
0x5d: {  	_ =	shalt  }
0x5e: {  	_ =	shalt  }
0x5f: {  	_ =	shalt  }
0x60: {  	_ =	shalt  }
0x61: {  	_ =	shalt  }
0x62: {  	_ =	shalt  }
0x63: {  	_ =	shalt  }
0x64: {  	_ =	shalt  }
0x65: {  	_ =	shalt  }
0x66: {  	_ =	shalt  }
0x67: {  	_ =	shalt  }
0x68: {  	_ =	shalt  }
0x69: {  	_ =	shalt  }
0x6a: {  	_ =	shalt  }
0x6b: {  	_ =	shalt  }
0x6c: {  	_ =	shalt  }
0x6d: {  	_ =	shalt  }
0x6e: {  	_ =	shalt  }
0x6f: {  	_ =	shalt  }
0x70: {  	_ =	shalt  }
0x71: {  	_ =	shalt  }
0x72: {  	_ =	shalt  }
0x73: {  	_ =	shalt  }
0x74: {  	_ =	shalt  }
0x75: {  	_ =	shalt  }
0x76: {  	_ =	shalt  }
0x77: {  	_ =	shalt  }
0x78: {  	_ =	shalt  }
0x79: {  	_ =	shalt  }
0x7a: {  	_ =	shalt  }
0x7b: {  	_ =	shalt  }
0x7c: {  	_ =	shalt  }
0x7d: {  	_ =	shalt  }
0x7e: {  	_ =	shalt  }
0x7f: {  	_ =	shalt  }
0x80: {  	_ =	shalt  }
0x81: {  	_ =	shalt  }
0x82: {  	_ =	shalt  }
0x83: {  	_ =	shalt  }
0x84: {  	_ =	shalt  }
0x85: {  	_ =	shalt  }
0x86: {  	_ =	shalt  }
0x87: {  	_ =	shalt  }
.Lfunc_end0:
.L_simem_size_0:
called_computation_lowered:
.L_overlay_start_0:
0x88: {  	s2 =	sld [smem:$0x3FD9]  }
0x89: {  	s3 =	sld [smem:$0x3FFE];
	_ =	sdelay $0x1  }
0x8a: {  	s1 =	srdreg.scid  }
0x8b: {  	s0 =	sand.u32 $0x1, s1  }
0x8c: {  	s14 =	sshll.u32 s0, $0xA;
	s2 =	sadd.s32 s3, s2  }
0x8d: {  	s2 =	sadd.s32 s2, s14  }
0x8e: {  	[smem:$0x3FC0] =	sst s2  }
0x8f: {  	_ = 	snop  }
0x90: {  	s2 =	sld [smem:$0x3FD0];
	_ =	sdelay $0x2  }
0x91: {  	s15 =	simm.s32 $0xA;
	s4 =	simm.s32 $0x10  }
0x92: {  	[smem:s4], [sflag:s15] =	dma.local [hbm:s2], $0x1  }
0x93: {  	_ =	swait.eq [sflag:s15], $0x1  }
0x94: {  	[sflag:s15] =	ssyncset.done $0x0  }
0x95: {  	[sflag:s15] =	ssyncadd.s32 $0xFFFFFFFF  }
0x96: {  	s16 =	sld [smem:$0x10];
	(tm) =	ssettm $0x1  }
0x97: {  	s17 =	sld [smem:$0x3FFB];
	_ =	sdelay $0x3  }
0x98: {  	_ =	strace s17  }
0x99: {  	s3 =	sld [smem:$0x3FFC];
	_ =	sdelay $0x3  }
0x9a: {  	_ =	strace s3  }
0x9b: {  	s3 =	sld [smem:$0x3FFD];
	_ =	sdelay $0x3  }
0x9c: {  	_ =	strace s3  }
0x9d: {  	_ =	strace $0x8FFFFFFF  }
0x9e: {  	s18 =	sld [smem:$0x3FDB];
	_ =	sdelay $0x1  }
0x9f: {  	s19 =	simm.s32 $_scs_section_size  }
0xa0: {  	s5 =	simm.s32 $_size__tile_overlayer_lowered;
	s6 =	simm.s32 $_tile_overlayer_lowered  }
0xa1: {  	s22 =	simm.s32 $0x1BFF;
	s21 =	sshll.u32 s6, $0x1;
	s3 =	sadd.s32 s19, s18  }
0xa2: {  	s7 =	simm.s32 $0x0;
	s20 =	sshll.u32 s5, $0x1;
	s5 =	sadd.s32 s21, s3  }
0xa3: {  	[timem:s7], [sflag:s22] =	dma.local [hbm:s5], s20  }
0xa4: {  	_ =	swait.ge [sflag:s22], s20  }
0xa5: {  	s4 =	ssub.s32 $0x0, s20;
	[sflag:s22] =	ssyncset.done $0x0  }
0xa6: {  	[sflag:s22] =	ssyncadd.s32 s4;
	_ =	sdelay $0x1  }
0xa7: {  	s23 =	simm.s32 $0x1B8B  }
0xa8: {  	_ =	swait.ge [sflag:s23], $0x1  }
0xa9: {  	[sflag:s23] =	ssyncset.done $0x0  }
0xaa: {  	s25 =	simm.s32 $0x1B8E;
	s24 =	sld [smem:$0x3FFE];
	[sflag:s23] =	ssyncadd.s32 $0xFFFFFFFF  }
0xab: {  	s26 =	simm.s32 $execute0_lowered;
	[smem:$0x3FD2] =	sst s25  }
0xac: {  	s5 =	sshll.u32 s26, $0x1;
	_ =	strace $0x80000046;
	[dreg:$0x1] =	wrdreg $0xFFFFFFFF  }
0xad: {  	s28 =	simm.s32 $_size_execute0_lowered;
	s3 =	sadd.s32 s3, s5;
	[dreg:$0x0] =	wrdreg $0x0  }
0xae: {  	s5 =	sshll.u32 s28, $0x1;
	[dreg:$0x2] =	wrdreg s3  }
0xaf: {  	[dreg:$0x3] =	wrdreg s5  }
0xb0: {  	[dreg:$0x4] =	wrdreg $0xC0  }
0xb1: {  	_ =	task [dreg:s7], $0x5FFFF  }
0xb2: {  	[dreg:$0x1] =	wrdreg $0xFFFFFFFF  }
0xb3: {  	[dreg:$0x0] =	wrdreg $0x60  }
0xb4: {  	[dreg:$0x2] =	wrdreg s16  }
0xb5: {  	[dreg:$0x3] =	wrdreg s24  }
0xb6: {  	[dreg:$0x4] =	wrdreg $0x9  }
0xb7: {  	_ =	task.clear_ibuf [dreg:s7], $0x5FFFF;
	_ =	strace $0x90000046  }
0xb8: {  	s29 =	simm.s32 $0x9;
	_ =	strace $0x80000048  }
0xb9: {  	_ =	swait.ge [sflag:s29], $0x1  }
0xba: {  	[sflag:s29] =	ssyncadd.s32 $0xFFFFFFFF  }
0xbb: {  	_ =	strace $0x90000048  }
0xbc: {  	_ =	sfence  }
0xbd: {  	s30 =	sld [smem:$0x0];
	_ =	sdelay $0x2  }
0xbe: {  	s31 =	sshll.u32 s1, $0xD;
	s1 =	sshrl.u32 s1, $0x2  }
0xbf: {  	s3 =	sand.u32 $0x4000, s31;
	s1 =	sadd.s32 s1, s30  }
0xc0: {  	s0 =	sor.u32 s3, s0;
	s1 =	sshll.u32 s1, $0x11  }
0xc1: {  	s0 =	sor.u32 s1, s0  }
0xc2: {  	s0 =	sadd.s32 $0x8F2B, s0  }
0xc3: {  	[sflag:s0] =	ssyncadd.remote.s32 $0x1  }
0xc4: {  	_ =	sfence.sel $0xFFFF  }
0xc5: {  	[dreg:$0x0] =	wrdreg $0xFFFFFFFF;
	(pc) =	sbr.abs _section_cstart, $3  }
0xc6: {  	[dreg:$0x1] =	wrdreg $0xFFFFFFFF  }
0xc7: {  	_ =	task.clear_ibuf [dreg:s7], $0x2FFFF;
	_ =	strace $0x9FFFFFFF  }
0xc8: {  	(tm) =	ssettm $0x7FFFFFFF  }
0xc9: {  	_ =	shalt  }
tec
execute0_lowered:
.L_overlay_start_1:
0x0: {  	(tag) =	ssettag $0x1  }
0x1: {  	s1 =	srdreg.scid  }
0x2: {  	s0 =	stileid.u32;
	s7 =	sand.u32 $0x1, s1  }
0x3: {  	s30 =	sshll.u32 s0, $0x5;
	s3 =	sshll.u32 s7, $0x4  }
0x4: {  	s2 =	rddreg [dreg:$0x0];
	s6 =	sor.u32 s3, s30  }
0x5: {  	s9 =	rddreg [dreg:$0x1];
	s3 =	simm.s32 $0x0;
	s4 =	sshrl.u32 s6, $0x3  }
0x6: {  	s5 =	simm.s32 $0x3;
	[smem:$0x7FF] =	sst s3;
	s4 =	sadd.s32 s4, s9  }
0x7: {  	s1 =	rddreg [dreg:$0x2];
	_ =	strace $0x80000047;
	s4 =	sadd.s32 $0x2000, s4  }
0x8: {  	[tilespmem:s3], [sflag:$0x3] =	stream.linear.gather [hbm4b:s4+s3], $0x10, $0x38;
	[tilespmem:$0x2080] =	vst v63  }
0x9: {  	_ =	swait.ge [sflag:s5], $0x10  }
0xa: {  	[sflag:s5] =	ssyncset.done $0x0  }
0xb: {  	[sflag:s5] =	ssyncadd.s32 $0xFFFFFFF0  }
0xc: {  	v0 =	vld [tilespmem:$0x0];
	_ =	sdelay $0x4  }
0xd: {  	v1 =	vshll.u32 v0, $0x1  }
0xe: {  	v2 =	vlaneseq.u32;
	v3 =	vand.u32 $0x7, v0;
	v1 =	vand.u32 $0xFFFFFFF0, v1  }
0xf: {  	v4 =	vshrl.u32 v2, $0x3;
	v0 =	vand.u32 $0x7, v2;
	v3 =	vor.u32 v3, v1  }
0x10: {  	v1 =	vmul.u32 $0x8, v4;
	v63 =	vperm.xlane v3, v0  }
0x11: {  	v2 =	vor.u32 $0x8, v2  }
0x12: {  	v3 =	vperm.xlane v3, v2;
	v4 =	vadd.s32 v1, v63;
	_ =	sdelay $0x1  }
0x13: {  	s11 =	ssub.s32 $0x2, s7;
	v3 =	vadd.s32 v1, v3  }
0x14: {  	s31 =	sshrl.u32 s11, $0x1;
	s10 =	sshll.u32 s6, $0x5  }
0x15: {  	vm0 =	vmmov $0xffff;
	s6 =	simm.s32 $0x80;
	s9 =	sadd.s32 s10, s9;
	s10 =	ssub.s32 s11, s31  }
0x16: {  	[tilespmem:s6], [sflag:$0x1] =	stream.indirect_vreg.gather [hbm4b:s2+s3], $0x80, v4, vm0, $0xb8;
	[tilespmem:$0x2080] =	vst v63  }
0x17: {  	s8 =	simm.s32 $0x1;
	s7 =	simm.s32 $0x880;
	s11 =	smax.u32 s10, $0x1  }
0x18: {  	[tilespmem:s7], [sflag:$0x1] =	stream.indirect_vreg.gather [hbm4b:s2+s3], $0x80, v3, vm0, $0xb8;
	[tilespmem:$0x2080] =	vst v63  }
0x19: {  	p0 =	sne.s32 s11, $0x1;
	_ =	swait.ge [sflag:s8], $0x1000  }
.Ltmp0:
0x1a: {  	[sflag:s8] =	ssyncset.done $0x0;
	(pc) =	sbr.rel @!p0 .LBB2_2-.Ltmp0, $4  }
0x1b: {  	s9 =	sadd.s32 $0x2200, s9;
	s10 =	simm.s32 $0x2;
	[sflag:s8] =	ssyncadd.s32 $0xFFFFF000  }
0x1c: {  	[hbm4b:s9+s3] =	stream.linear.scatter [tilespmem:s6], [sflag:$0x2], $0x1000, $0x38;
	[tilespmem:$0x2080] =	vst v63  }
0x1d: {  	_ =	swait.ge [sflag:s10], $0x1000  }
0x1e: {  	s11 =	sadd.s32 $0xFFFFFFFF, s11;
	[sflag:s10] =	ssyncset.done $0x0  }
.LBB2_1:
0x1f: {  	p0 =	sne.s32 s11, $0x1;
	s11 =	sadd.s32 $0xFFFFFFFF, s11;
	[sflag:s10] =	ssyncadd.s32 $0xFFFFF000  }
0x20: {  	[tilespmem:s3], [sflag:$0x3] =	stream.linear.gather [hbm4b:s4+s3], $0x10, $0x38;
	[tilespmem:$0x2080] =	vst v63  }
0x21: {  	_ =	swait.ge [sflag:s5], $0x10  }
0x22: {  	[sflag:s5] =	ssyncset.done $0x0  }
0x23: {  	[sflag:s5] =	ssyncadd.s32 $0xFFFFFFF0  }
0x24: {  	v3 =	vld [tilespmem:$0x0];
	_ =	sdelay $0x4  }
0x25: {  	v4 =	vshll.u32 v3, $0x1  }
0x26: {  	v3 =	vand.u32 $0x7, v3;
	v4 =	vand.u32 $0xFFFFFFF0, v4  }
0x27: {  	v3 =	vor.u32 v3, v4  }
0x28: {  	v4 =	vperm.xlane v3, v0;
	v3 =	vperm.xlane v3, v2;
	_ =	sdelay $0x1  }
0x29: {  	v4 =	vadd.s32 v1, v4;
	_ =	sdelay $0x1  }
0x2a: {  	v3 =	vadd.s32 v1, v3;
	_ =	sdelay $0x2  }
0x2b: {  	[tilespmem:s6], [sflag:$0x1] =	stream.indirect_vreg.gather [hbm4b:s2+s3], $0x80, v4, vm0, $0xb8;
	[tilespmem:$0x2080] =	vst v63  }
0x2c: {  	_ = 	snop  }
0x2d: {  	[tilespmem:s7], [sflag:$0x1] =	stream.indirect_vreg.gather [hbm4b:s2+s3], $0x80, v3, vm0, $0xb8;
	[tilespmem:$0x2080] =	vst v63  }
0x2e: {  	_ =	swait.ge [sflag:s8], $0x1000  }
.Ltmp1:
0x2f: {  	[sflag:s8] =	ssyncset.done $0x0;
	(pc) =	sbr.rel @p0 .LBB2_1-.Ltmp1, $4  }
0x30: {  	[sflag:s8] =	ssyncadd.s32 $0xFFFFF000  }
0x31: {  	[hbm4b:s9+s3] =	stream.linear.scatter [tilespmem:s6], [sflag:$0x2], $0x1000, $0x38;
	[tilespmem:$0x2080] =	vst v63  }
0x32: {  	_ =	swait.ge [sflag:s10], $0x1000  }
0x33: {  	[sflag:s10] =	ssyncset.done $0x0  }
.LBB2_2:
0x34: {  	[sflag:s10] =	ssyncadd.s32 $0xFFFFF000  }
0x35: {  	_ =	sfence.sel $0x180000  }
0x36: {  	[bflag:$0x0] =	sbarrier.arrive $0xFFFF  }
0x37: {  	p0 =	sne.s32 s0, $0x0;
	_ =	strace $0x90000047  }
0x38: {  	s0 =	sadd.s32 @!p0 $0x100000, s1;
	[bflag:$0x2] =	sbarrier.arrive $0xFFFF  }
0x39: {  	[sflag:s0] =	ssyncadd.tile.s32 @!p0 $0x1;
	_ =	shalt  }
.Lfunc_end2:
_tile_overlayer_lowered:
.L_overlay_start_2:
0x3a: {  	(tag) =	ssettag $0x2  }
0x3b: {  	s0 =	rddreg [dreg:$0x0];
	s2 =	stileid.u32  }
0x3c: {  	s1 =	rddreg [dreg:$0x1];
	p0 =	sne.s32 s2, $0x0  }
0x3d: {  	s3 =	rddreg [dreg:$0x2];
	[bflag:$0x3] =	sbarrier.arrive $0xFFFF;
	s2 =	simm.s32 @!p0 $0x1C03  }
0x3e: {  	[timem:s3], [sflag:s2] =	dma.local @!p0 [hbm:s0], s1  }
0x3f: {  	s0 =	simm.s32 @!p0 $0x3  }
0x40: {  	_ =	swait.ge @!p0 [sflag:s0], s1  }
0x41: {  	s1 =	ssub.s32 @!p0 $0x0, s1;
	[sflag:s0] =	ssyncset.done @!p0 $0x0  }
0x42: {  	[sflag:s0] =	ssyncadd.s32 @!p0 s1  }
0x43: {  	[bflag:$0x3] =	sbarrier.arrive $0xFFFF  }
0x44: {  	_ =	shalt  }

</sc_bundles>
